<compile_context>
chip_gen: v7x
topology: tpu7x:2x2x1
jax: 0.10.2.dev20260603
libtpu: 0.0.44.dev20260713+nightly
codegen_flags: <defaults>
</compile_context>

<pallas_src>
import functools

import jax
import jax.numpy as jnp
from jax import lax
from jax.experimental import pallas as pl
from jax.experimental.pallas import tpu as pltpu
from jax.experimental.pallas import tpu_sc as plsc

INDEX_DIM = 8192
NUM_CHANNELS = 128
SEQ_LEN = 8192
OUT_BATCH = 4

NUM_CORES = 2
NUM_SUBCORES = 16
NUM_WORKERS = NUM_CORES * NUM_SUBCORES
ROWS_PER_WORKER = SEQ_LEN // NUM_WORKERS
IDX_CHUNK = 128
CHUNKS = ROWS_PER_WORKER // IDX_CHUNK


@functools.partial(
    pl.kernel,
    mesh=plsc.VectorSubcoreMesh(core_axis_name="c", subcore_axis_name="s"),
    out_type=jax.ShapeDtypeStruct((OUT_BATCH, SEQ_LEN, NUM_CHANNELS), jnp.float32),
    scratch_types=[
        pltpu.VMEM((CHUNKS, IDX_CHUNK), jnp.int32),
        pltpu.VMEM((ROWS_PER_WORKER, NUM_CHANNELS), jnp.float32),
        pltpu.SemaphoreType.DMA,
        pltpu.SemaphoreType.DMA,
        pltpu.SemaphoreType.DMA,
    ],
)
def _embed_bcast(ids_hbm, table_hbm, out_hbm, idx_v, rows_v, isem, gsem, wsem):
    wid = lax.axis_index("c") * NUM_SUBCORES + lax.axis_index("s")
    base = wid * ROWS_PER_WORKER

    id_copies = [
        pltpu.async_copy(ids_hbm.at[wid * CHUNKS + c], idx_v.at[c], isem)
        for c in range(CHUNKS)
    ]
    gathers = []
    for c in range(CHUNKS):
        id_copies[c].wait()
        gathers.append(
            pltpu.async_copy(
                table_hbm.at[idx_v.at[c]],
                rows_v.at[pl.ds(c * IDX_CHUNK, IDX_CHUNK)],
                gsem,
            )
        )
    writes = []
    for c in range(CHUNKS):
        gathers[c].wait()
        chunk = rows_v.at[pl.ds(c * IDX_CHUNK, IDX_CHUNK)]
        writes += [
            pltpu.async_copy(
                chunk, out_hbm.at[b, pl.ds(base + c * IDX_CHUNK, IDX_CHUNK)], wsem
            )
            for b in range(OUT_BATCH)
        ]
    for w in writes:
        w.wait()


def kernel(batch_size, position_ids, position_embeddings):
    del batch_size
    ids2d = position_ids.reshape(SEQ_LEN // IDX_CHUNK, IDX_CHUNK)
    return _embed_bcast(ids2d, position_embeddings)

# --- scband reference (transcript-rebuilt; emitter-appended) ---
"""Pipeline reference for scband-perceiver-trainable-position-encoding-42451456754121 (READ-ONLY COPY).

The authoritative reference and input builder live on the scoring server;
editing this copy changes nothing except your own understanding.
"""

import jax, jax.numpy as jnp
import numpy as np

INDEX_DIM = 8192
NUM_CHANNELS = 128
SEQ_LEN = 8192
BATCH = 4


def setup_inputs(seed: int = 0) -> dict:
    key = jax.random.key(seed)
    k_table, = jax.random.split(key, 1)
    position_ids = jnp.arange(SEQ_LEN, dtype=jnp.int32)
    position_embeddings = jax.random.normal(k_table, (INDEX_DIM, NUM_CHANNELS), dtype=jnp.float32) * 0.02
    return {
        "batch_size": BATCH,
        "position_ids": position_ids,
        "position_embeddings": position_embeddings,
    }


def reference(batch_size, position_ids, position_embeddings):
    # nn.Embedding lookup -> gather rows from the trainable table
    emb = jnp.take(position_embeddings, position_ids, axis=0)  # [seq_len, num_channels]
    if batch_size is not None:
        emb = jnp.broadcast_to(emb[None, :, :], (BATCH, emb.shape[0], emb.shape[1]))
        emb = emb + jnp.asarray(batch_size).astype(emb.dtype) * 0.0
    return emb

if __name__ == "__main__":
    import jax
    _d = setup_inputs()
    print(jax.jit(kernel)(*tuple(_d.values())))

</pallas_src>

<mosaic_0001>
#map = affine_map<(d0, d1) -> (0, 0)>
#map1 = affine_map<(d0, d1) -> (0, 0, 0)>
module attributes {stable_mosaic.version = 14 : i64} {
  func.func @_embed_bcast(%arg0: i32, %arg1: i32, %arg2: memref<64x128xi32, #tpu.memory_space<hbm>>, %arg3: memref<8192x128xf32, #tpu.memory_space<hbm>>, %arg4: memref<4x8192x128xf32, #tpu.memory_space<hbm>>, %arg5: memref<2x128xi32, #tpu.memory_space<vmem>>, %arg6: memref<256x128xf32, #tpu.memory_space<vmem>>, %arg7: memref<!tpu.dma_semaphore, #tpu.memory_space<semaphore_mem>>, %arg8: memref<!tpu.dma_semaphore, #tpu.memory_space<semaphore_mem>>, %arg9: memref<!tpu.dma_semaphore, #tpu.memory_space<semaphore_mem>>) attributes {dimension_semantics = [#tpu.dimension_semantics<core_parallel>, #tpu.dimension_semantics<subcore_parallel>], iteration_bounds = array<i64: 2, 16>, scalar_prefetch = 0 : i64, scratch_operands = 5 : i64, tpu.core_type = #tpu.core_type<sc_vector_subcore>, window_params = [{transform_indices = #map}, {transform_indices = #map}, {transform_indices = #map1}]} {
    %mul3A = arith.constant 16 : i32
    %mul3A_0 = arith.muli %arg0, %mul3A : i32
    %add3A = arith.addi %mul3A_0, %arg1 : i32
    %mul3A_1 = arith.constant 256 : i32
    %mul3A_2 = arith.muli %add3A, %mul3A_1 : i32
    %mul3A_3 = arith.constant 2 : i32
    %mul3A_4 = arith.muli %add3A, %mul3A_3 : i32
    %add3A_5 = arith.constant 0 : i32
    %add3A_6 = arith.addi %mul3A_4, %add3A_5 : i32
    %dma_start3A = arith.constant 0 : i32
    %dma_start3A_7 = arith.constant 0 : i32
    %dma_start3A_8 = tpu.memref_slice %arg5[%dma_start3A, %dma_start3A_7] : memref<2x128xi32, #tpu.memory_space<vmem>> -> memref<1x128xi32, #tpu.memory_space<vmem>>
    %dma_start3A_9 = tpu.memref_squeeze %dma_start3A_8 : memref<1x128xi32, #tpu.memory_space<vmem>> -> memref<128xi32, #tpu.memory_space<vmem>>
    %dma_start3A_10 = arith.constant 0 : i32
    %dma_start3A_11 = tpu.memref_slice %arg2[%add3A_6, %dma_start3A_10] : memref<64x128xi32, #tpu.memory_space<hbm>> -> memref<1x128xi32, #tpu.memory_space<hbm>>
    %dma_start3A_12 = tpu.memref_squeeze %dma_start3A_11 : memref<1x128xi32, #tpu.memory_space<hbm>> -> memref<128xi32, #tpu.memory_space<hbm>>
    %dma_start3A_13 = arith.constant 0 : i32
    %dma_start3A_14 = tpu.memref_slice %arg5[%dma_start3A, %dma_start3A_13] : memref<2x128xi32, #tpu.memory_space<vmem>> -> memref<1x128xi32, #tpu.memory_space<vmem>>
    %dma_start3A_15 = tpu.memref_squeeze %dma_start3A_14 : memref<1x128xi32, #tpu.memory_space<vmem>> -> memref<128xi32, #tpu.memory_space<vmem>>
    %dma_start3A_16 = arith.constant 0 : i32
    %dma_start3A_17 = tpu.memref_slice %arg2[%add3A_6, %dma_start3A_16] : memref<64x128xi32, #tpu.memory_space<hbm>> -> memref<1x128xi32, #tpu.memory_space<hbm>>
    %dma_start3A_18 = tpu.memref_squeeze %dma_start3A_17 : memref<1x128xi32, #tpu.memory_space<hbm>> -> memref<128xi32, #tpu.memory_space<hbm>>
    tpu.enqueue_dma source(%dma_start3A_18 : memref<128xi32, #tpu.memory_space<hbm>>) target(%dma_start3A_15 : memref<128xi32, #tpu.memory_space<vmem>>) target_semaphore(%arg7 : memref<!tpu.dma_semaphore, #tpu.memory_space<semaphore_mem>>)
    %mul3A_19 = arith.constant 2 : i32
    %mul3A_20 = arith.muli %add3A, %mul3A_19 : i32
    %add3A_21 = arith.constant 1 : i32
    %add3A_22 = arith.addi %mul3A_20, %add3A_21 : i32
    %dma_start3A_23 = arith.constant 1 : i32
    %dma_start3A_24 = arith.constant 0 : i32
    %dma_start3A_25 = tpu.memref_slice %arg5[%dma_start3A_23, %dma_start3A_24] : memref<2x128xi32, #tpu.memory_space<vmem>> -> memref<1x128xi32, #tpu.memory_space<vmem>>
    %dma_start3A_26 = tpu.memref_squeeze %dma_start3A_25 : memref<1x128xi32, #tpu.memory_space<vmem>> -> memref<128xi32, #tpu.memory_space<vmem>>
    %dma_start3A_27 = arith.constant 0 : i32
    %dma_start3A_28 = tpu.memref_slice %arg2[%add3A_22, %dma_start3A_27] : memref<64x128xi32, #tpu.memory_space<hbm>> -> memref<1x128xi32, #tpu.memory_space<hbm>>
    %dma_start3A_29 = tpu.memref_squeeze %dma_start3A_28 : memref<1x128xi32, #tpu.memory_space<hbm>> -> memref<128xi32, #tpu.memory_space<hbm>>
    %dma_start3A_30 = arith.constant 0 : i32
    %dma_start3A_31 = tpu.memref_slice %arg5[%dma_start3A_23, %dma_start3A_30] : memref<2x128xi32, #tpu.memory_space<vmem>> -> memref<1x128xi32, #tpu.memory_space<vmem>>
    %dma_start3A_32 = tpu.memref_squeeze %dma_start3A_31 : memref<1x128xi32, #tpu.memory_space<vmem>> -> memref<128xi32, #tpu.memory_space<vmem>>
    %dma_start3A_33 = arith.constant 0 : i32
    %dma_start3A_34 = tpu.memref_slice %arg2[%add3A_22, %dma_start3A_33] : memref<64x128xi32, #tpu.memory_space<hbm>> -> memref<1x128xi32, #tpu.memory_space<hbm>>
    %dma_start3A_35 = tpu.memref_squeeze %dma_start3A_34 : memref<1x128xi32, #tpu.memory_space<hbm>> -> memref<128xi32, #tpu.memory_space<hbm>>
    tpu.enqueue_dma source(%dma_start3A_35 : memref<128xi32, #tpu.memory_space<hbm>>) target(%dma_start3A_32 : memref<128xi32, #tpu.memory_space<vmem>>) target_semaphore(%arg7 : memref<!tpu.dma_semaphore, #tpu.memory_space<semaphore_mem>>)
    %dma_wait3A = arith.constant 0 : i32
    %dma_wait3A_36 = arith.constant 0 : i32
    %dma_wait3A_37 = tpu.memref_slice %arg5[%dma_wait3A, %dma_wait3A_36] : memref<2x128xi32, #tpu.memory_space<vmem>> -> memref<1x128xi32, #tpu.memory_space<vmem>>
    %dma_wait3A_38 = tpu.memref_squeeze %dma_wait3A_37 : memref<1x128xi32, #tpu.memory_space<vmem>> -> memref<128xi32, #tpu.memory_space<vmem>>
    %dma_wait3A_39 = arith.constant 0 : i32
    %dma_wait3A_40 = tpu.memref_slice %arg2[%add3A_6, %dma_wait3A_39] : memref<64x128xi32, #tpu.memory_space<hbm>> -> memref<1x128xi32, #tpu.memory_space<hbm>>
    %dma_wait3A_41 = tpu.memref_squeeze %dma_wait3A_40 : memref<1x128xi32, #tpu.memory_space<hbm>> -> memref<128xi32, #tpu.memory_space<hbm>>
    %dma_wait3A_42 = arith.constant 0 : i32
    %dma_wait3A_43 = tpu.memref_slice %arg5[%dma_wait3A, %dma_wait3A_42] : memref<2x128xi32, #tpu.memory_space<vmem>> -> memref<1x128xi32, #tpu.memory_space<vmem>>
    %dma_wait3A_44 = tpu.memref_squeeze %dma_wait3A_43 : memref<1x128xi32, #tpu.memory_space<vmem>> -> memref<128xi32, #tpu.memory_space<vmem>>
    %dma_wait3A_45 = arith.constant 0 : i32
    %dma_wait3A_46 = tpu.memref_slice %arg2[%add3A_6, %dma_wait3A_45] : memref<64x128xi32, #tpu.memory_space<hbm>> -> memref<1x128xi32, #tpu.memory_space<hbm>>
    %dma_wait3A_47 = tpu.memref_squeeze %dma_wait3A_46 : memref<1x128xi32, #tpu.memory_space<hbm>> -> memref<128xi32, #tpu.memory_space<hbm>>
    tpu.wait_dma2 semaphore(%arg7 : memref<!tpu.dma_semaphore, #tpu.memory_space<semaphore_mem>>) src(%dma_wait3A_47 : memref<128xi32, #tpu.memory_space<hbm>>) dst(%dma_wait3A_44 : memref<128xi32, #tpu.memory_space<vmem>>)
    %dma_start3A_48 = arith.constant 0 : i32
    %dma_start3A_49 = arith.constant 0 : i32
    %dma_start3A_50 = arith.constant 0 : i32
    %dma_start3A_51 = tpu.memref_slice %arg6[%dma_start3A_49, %dma_start3A_50] : memref<256x128xf32, #tpu.memory_space<vmem>> -> memref<128x128xf32, #tpu.memory_space<vmem>>
    %dma_start3A_52 = arith.constant 0 : i32
    %dma_start3A_53 = tpu.memref_slice %arg5[%dma_start3A_48, %dma_start3A_52] : memref<2x128xi32, #tpu.memory_space<vmem>> -> memref<1x128xi32, #tpu.memory_space<vmem>>
    %dma_start3A_54 = tpu.memref_squeeze %dma_start3A_53 : memref<1x128xi32, #tpu.memory_space<vmem>> -> memref<128xi32, #tpu.memory_space<vmem>>
    %dma_start3A_55 = arith.constant 0 : i32
    %dma_start3A_56 = arith.constant 0 : i32
    %dma_start3A_57 = tpu.memref_slice %arg3[%dma_start3A_55, %dma_start3A_56] : memref<8192x128xf32, #tpu.memory_space<hbm>> -> memref<8192x128xf32, #tpu.memory_space<hbm>>
    tpu.enqueue_indirect_dma source(%dma_start3A_57 : memref<8192x128xf32, #tpu.memory_space<hbm>>) target(%dma_start3A_51 : memref<128x128xf32, #tpu.memory_space<vmem>>) offsets(%dma_start3A_54 : memref<128xi32, #tpu.memory_space<vmem>>) semaphore(%arg8 : memref<!tpu.dma_semaphore, #tpu.memory_space<semaphore_mem>>)
    %dma_wait3A_58 = arith.constant 1 : i32
    %dma_wait3A_59 = arith.constant 0 : i32
    %dma_wait3A_60 = tpu.memref_slice %arg5[%dma_wait3A_58, %dma_wait3A_59] : memref<2x128xi32, #tpu.memory_space<vmem>> -> memref<1x128xi32, #tpu.memory_space<vmem>>
    %dma_wait3A_61 = tpu.memref_squeeze %dma_wait3A_60 : memref<1x128xi32, #tpu.memory_space<vmem>> -> memref<128xi32, #tpu.memory_space<vmem>>
    %dma_wait3A_62 = arith.constant 0 : i32
    %dma_wait3A_63 = tpu.memref_slice %arg2[%add3A_22, %dma_wait3A_62] : memref<64x128xi32, #tpu.memory_space<hbm>> -> memref<1x128xi32, #tpu.memory_space<hbm>>
    %dma_wait3A_64 = tpu.memref_squeeze %dma_wait3A_63 : memref<1x128xi32, #tpu.memory_space<hbm>> -> memref<128xi32, #tpu.memory_space<hbm>>
    %dma_wait3A_65 = arith.constant 0 : i32
    %dma_wait3A_66 = tpu.memref_slice %arg5[%dma_wait3A_58, %dma_wait3A_65] : memref<2x128xi32, #tpu.memory_space<vmem>> -> memref<1x128xi32, #tpu.memory_space<vmem>>
    %dma_wait3A_67 = tpu.memref_squeeze %dma_wait3A_66 : memref<1x128xi32, #tpu.memory_space<vmem>> -> memref<128xi32, #tpu.memory_space<vmem>>
    %dma_wait3A_68 = arith.constant 0 : i32
    %dma_wait3A_69 = tpu.memref_slice %arg2[%add3A_22, %dma_wait3A_68] : memref<64x128xi32, #tpu.memory_space<hbm>> -> memref<1x128xi32, #tpu.memory_space<hbm>>
    %dma_wait3A_70 = tpu.memref_squeeze %dma_wait3A_69 : memref<1x128xi32, #tpu.memory_space<hbm>> -> memref<128xi32, #tpu.memory_space<hbm>>
    tpu.wait_dma2 semaphore(%arg7 : memref<!tpu.dma_semaphore, #tpu.memory_space<semaphore_mem>>) src(%dma_wait3A_70 : memref<128xi32, #tpu.memory_space<hbm>>) dst(%dma_wait3A_67 : memref<128xi32, #tpu.memory_space<vmem>>)
    %dma_start3A_71 = arith.constant 1 : i32
    %dma_start3A_72 = arith.constant 128 : i32
    %dma_start3A_73 = arith.constant 0 : i32
    %dma_start3A_74 = tpu.memref_slice %arg6[%dma_start3A_72, %dma_start3A_73] : memref<256x128xf32, #tpu.memory_space<vmem>> -> memref<128x128xf32, #tpu.memory_space<vmem>>
    %dma_start3A_75 = arith.constant 0 : i32
    %dma_start3A_76 = tpu.memref_slice %arg5[%dma_start3A_71, %dma_start3A_75] : memref<2x128xi32, #tpu.memory_space<vmem>> -> memref<1x128xi32, #tpu.memory_space<vmem>>
    %dma_start3A_77 = tpu.memref_squeeze %dma_start3A_76 : memref<1x128xi32, #tpu.memory_space<vmem>> -> memref<128xi32, #tpu.memory_space<vmem>>
    %dma_start3A_78 = arith.constant 0 : i32
    %dma_start3A_79 = arith.constant 0 : i32
    %dma_start3A_80 = tpu.memref_slice %arg3[%dma_start3A_78, %dma_start3A_79] : memref<8192x128xf32, #tpu.memory_space<hbm>> -> memref<8192x128xf32, #tpu.memory_space<hbm>>
    tpu.enqueue_indirect_dma source(%dma_start3A_80 : memref<8192x128xf32, #tpu.memory_space<hbm>>) target(%dma_start3A_74 : memref<128x128xf32, #tpu.memory_space<vmem>>) offsets(%dma_start3A_77 : memref<128xi32, #tpu.memory_space<vmem>>) semaphore(%arg8 : memref<!tpu.dma_semaphore, #tpu.memory_space<semaphore_mem>>)
    %dma_wait3A_81 = arith.constant 0 : i32
    %dma_wait3A_82 = arith.constant 0 : i32
    %dma_wait3A_83 = arith.constant 0 : i32
    %dma_wait3A_84 = tpu.memref_slice %arg6[%dma_wait3A_82, %dma_wait3A_83] : memref<256x128xf32, #tpu.memory_space<vmem>> -> memref<128x128xf32, #tpu.memory_space<vmem>>
    %dma_wait3A_85 = arith.constant 0 : i32
    %dma_wait3A_86 = tpu.memref_slice %arg5[%dma_wait3A_81, %dma_wait3A_85] : memref<2x128xi32, #tpu.memory_space<vmem>> -> memref<1x128xi32, #tpu.memory_space<vmem>>
    %dma_wait3A_87 = tpu.memref_squeeze %dma_wait3A_86 : memref<1x128xi32, #tpu.memory_space<vmem>> -> memref<128xi32, #tpu.memory_space<vmem>>
    %dma_wait3A_88 = arith.constant 0 : i32
    %dma_wait3A_89 = arith.constant 0 : i32
    %dma_wait3A_90 = tpu.memref_slice %arg3[%dma_wait3A_88, %dma_wait3A_89] : memref<8192x128xf32, #tpu.memory_space<hbm>> -> memref<8192x128xf32, #tpu.memory_space<hbm>>
    tpu.wait_indirect_dma semaphore(%arg8 : memref<!tpu.dma_semaphore, #tpu.memory_space<semaphore_mem>>) src(%dma_wait3A_90 : memref<8192x128xf32, #tpu.memory_space<hbm>>) dst(%dma_wait3A_84 : memref<128x128xf32, #tpu.memory_space<vmem>>)
    %add3A_91 = arith.constant 0 : i32
    %add3A_92 = arith.addi %mul3A_2, %add3A_91 : i32
    %dma_start3A_93 = arith.constant 0 : i32
    %dma_start3A_94 = arith.constant 0 : i32
    %dma_start3A_95 = arith.constant 0 : i32
    %dma_start3A_96 = tpu.memref_slice %arg6[%dma_start3A_94, %dma_start3A_95] : memref<256x128xf32, #tpu.memory_space<vmem>> -> memref<128x128xf32, #tpu.memory_space<vmem>>
    %dma_start3A_97 = arith.constant 0 : i32
    %dma_start3A_98 = tpu.memref_slice %arg4[%dma_start3A_93, %add3A_92, %dma_start3A_97] : memref<4x8192x128xf32, #tpu.memory_space<hbm>> -> memref<1x128x128xf32, #tpu.memory_space<hbm>>
    %dma_start3A_99 = tpu.memref_squeeze %dma_start3A_98 : memref<1x128x128xf32, #tpu.memory_space<hbm>> -> memref<128x128xf32, #tpu.memory_space<hbm>>
    %dma_start3A_100 = arith.constant 0 : i32
    %dma_start3A_101 = tpu.memref_slice %arg4[%dma_start3A_93, %add3A_92, %dma_start3A_100] : memref<4x8192x128xf32, #tpu.memory_space<hbm>> -> memref<1x128x128xf32, #tpu.memory_space<hbm>>
    %dma_start3A_102 = tpu.memref_squeeze %dma_start3A_101 : memref<1x128x128xf32, #tpu.memory_space<hbm>> -> memref<128x128xf32, #tpu.memory_space<hbm>>
    %dma_start3A_103 = arith.constant 0 : i32
    %dma_start3A_104 = arith.constant 0 : i32
    %dma_start3A_105 = tpu.memref_slice %arg6[%dma_start3A_103, %dma_start3A_104] : memref<256x128xf32, #tpu.memory_space<vmem>> -> memref<128x128xf32, #tpu.memory_space<vmem>>
    tpu.enqueue_dma source(%dma_start3A_105 : memref<128x128xf32, #tpu.memory_space<vmem>>) target(%dma_start3A_102 : memref<128x128xf32, #tpu.memory_space<hbm>>) target_semaphore(%arg9 : memref<!tpu.dma_semaphore, #tpu.memory_space<semaphore_mem>>)
    %add3A_106 = arith.constant 0 : i32
    %add3A_107 = arith.addi %mul3A_2, %add3A_106 : i32
    %dma_start3A_108 = arith.constant 1 : i32
    %dma_start3A_109 = arith.constant 0 : i32
    %dma_start3A_110 = arith.constant 0 : i32
    %dma_start3A_111 = tpu.memref_slice %arg6[%dma_start3A_109, %dma_start3A_110] : memref<256x128xf32, #tpu.memory_space<vmem>> -> memref<128x128xf32, #tpu.memory_space<vmem>>
    %dma_start3A_112 = arith.constant 0 : i32
    %dma_start3A_113 = tpu.memref_slice %arg4[%dma_start3A_108, %add3A_107, %dma_start3A_112] : memref<4x8192x128xf32, #tpu.memory_space<hbm>> -> memref<1x128x128xf32, #tpu.memory_space<hbm>>
    %dma_start3A_114 = tpu.memref_squeeze %dma_start3A_113 : memref<1x128x128xf32, #tpu.memory_space<hbm>> -> memref<128x128xf32, #tpu.memory_space<hbm>>
    %dma_start3A_115 = arith.constant 0 : i32
    %dma_start3A_116 = tpu.memref_slice %arg4[%dma_start3A_108, %add3A_107, %dma_start3A_115] : memref<4x8192x128xf32, #tpu.memory_space<hbm>> -> memref<1x128x128xf32, #tpu.memory_space<hbm>>
    %dma_start3A_117 = tpu.memref_squeeze %dma_start3A_116 : memref<1x128x128xf32, #tpu.memory_space<hbm>> -> memref<128x128xf32, #tpu.memory_space<hbm>>
    %dma_start3A_118 = arith.constant 0 : i32
    %dma_start3A_119 = arith.constant 0 : i32
    %dma_start3A_120 = tpu.memref_slice %arg6[%dma_start3A_118, %dma_start3A_119] : memref<256x128xf32, #tpu.memory_space<vmem>> -> memref<128x128xf32, #tpu.memory_space<vmem>>
    tpu.enqueue_dma source(%dma_start3A_120 : memref<128x128xf32, #tpu.memory_space<vmem>>) target(%dma_start3A_117 : memref<128x128xf32, #tpu.memory_space<hbm>>) target_semaphore(%arg9 : memref<!tpu.dma_semaphore, #tpu.memory_space<semaphore_mem>>)
    %add3A_121 = arith.constant 0 : i32
    %add3A_122 = arith.addi %mul3A_2, %add3A_121 : i32
    %dma_start3A_123 = arith.constant 2 : i32
    %dma_start3A_124 = arith.constant 0 : i32
    %dma_start3A_125 = arith.constant 0 : i32
    %dma_start3A_126 = tpu.memref_slice %arg6[%dma_start3A_124, %dma_start3A_125] : memref<256x128xf32, #tpu.memory_space<vmem>> -> memref<128x128xf32, #tpu.memory_space<vmem>>
    %dma_start3A_127 = arith.constant 0 : i32
    %dma_start3A_128 = tpu.memref_slice %arg4[%dma_start3A_123, %add3A_122, %dma_start3A_127] : memref<4x8192x128xf32, #tpu.memory_space<hbm>> -> memref<1x128x128xf32, #tpu.memory_space<hbm>>
    %dma_start3A_129 = tpu.memref_squeeze %dma_start3A_128 : memref<1x128x128xf32, #tpu.memory_space<hbm>> -> memref<128x128xf32, #tpu.memory_space<hbm>>
    %dma_start3A_130 = arith.constant 0 : i32
    %dma_start3A_131 = tpu.memref_slice %arg4[%dma_start3A_123, %add3A_122, %dma_start3A_130] : memref<4x8192x128xf32, #tpu.memory_space<hbm>> -> memref<1x128x128xf32, #tpu.memory_space<hbm>>
    %dma_start3A_132 = tpu.memref_squeeze %dma_start3A_131 : memref<1x128x128xf32, #tpu.memory_space<hbm>> -> memref<128x128xf32, #tpu.memory_space<hbm>>
    %dma_start3A_133 = arith.constant 0 : i32
    %dma_start3A_134 = arith.constant 0 : i32
    %dma_start3A_135 = tpu.memref_slice %arg6[%dma_start3A_133, %dma_start3A_134] : memref<256x128xf32, #tpu.memory_space<vmem>> -> memref<128x128xf32, #tpu.memory_space<vmem>>
    tpu.enqueue_dma source(%dma_start3A_135 : memref<128x128xf32, #tpu.memory_space<vmem>>) target(%dma_start3A_132 : memref<128x128xf32, #tpu.memory_space<hbm>>) target_semaphore(%arg9 : memref<!tpu.dma_semaphore, #tpu.memory_space<semaphore_mem>>)
    %add3A_136 = arith.constant 0 : i32
    %add3A_137 = arith.addi %mul3A_2, %add3A_136 : i32
    %dma_start3A_138 = arith.constant 3 : i32
    %dma_start3A_139 = arith.constant 0 : i32
    %dma_start3A_140 = arith.constant 0 : i32
    %dma_start3A_141 = tpu.memref_slice %arg6[%dma_start3A_139, %dma_start3A_140] : memref<256x128xf32, #tpu.memory_space<vmem>> -> memref<128x128xf32, #tpu.memory_space<vmem>>
    %dma_start3A_142 = arith.constant 0 : i32
    %dma_start3A_143 = tpu.memref_slice %arg4[%dma_start3A_138, %add3A_137, %dma_start3A_142] : memref<4x8192x128xf32, #tpu.memory_space<hbm>> -> memref<1x128x128xf32, #tpu.memory_space<hbm>>
    %dma_start3A_144 = tpu.memref_squeeze %dma_start3A_143 : memref<1x128x128xf32, #tpu.memory_space<hbm>> -> memref<128x128xf32, #tpu.memory_space<hbm>>
    %dma_start3A_145 = arith.constant 0 : i32
    %dma_start3A_146 = tpu.memref_slice %arg4[%dma_start3A_138, %add3A_137, %dma_start3A_145] : memref<4x8192x128xf32, #tpu.memory_space<hbm>> -> memref<1x128x128xf32, #tpu.memory_space<hbm>>
    %dma_start3A_147 = tpu.memref_squeeze %dma_start3A_146 : memref<1x128x128xf32, #tpu.memory_space<hbm>> -> memref<128x128xf32, #tpu.memory_space<hbm>>
    %dma_start3A_148 = arith.constant 0 : i32
    %dma_start3A_149 = arith.constant 0 : i32
    %dma_start3A_150 = tpu.memref_slice %arg6[%dma_start3A_148, %dma_start3A_149] : memref<256x128xf32, #tpu.memory_space<vmem>> -> memref<128x128xf32, #tpu.memory_space<vmem>>
    tpu.enqueue_dma source(%dma_start3A_150 : memref<128x128xf32, #tpu.memory_space<vmem>>) target(%dma_start3A_147 : memref<128x128xf32, #tpu.memory_space<hbm>>) target_semaphore(%arg9 : memref<!tpu.dma_semaphore, #tpu.memory_space<semaphore_mem>>)
    %dma_wait3A_151 = arith.constant 1 : i32
    %dma_wait3A_152 = arith.constant 128 : i32
    %dma_wait3A_153 = arith.constant 0 : i32
    %dma_wait3A_154 = tpu.memref_slice %arg6[%dma_wait3A_152, %dma_wait3A_153] : memref<256x128xf32, #tpu.memory_space<vmem>> -> memref<128x128xf32, #tpu.memory_space<vmem>>
    %dma_wait3A_155 = arith.constant 0 : i32
    %dma_wait3A_156 = tpu.memref_slice %arg5[%dma_wait3A_151, %dma_wait3A_155] : memref<2x128xi32, #tpu.memory_space<vmem>> -> memref<1x128xi32, #tpu.memory_space<vmem>>
    %dma_wait3A_157 = tpu.memref_squeeze %dma_wait3A_156 : memref<1x128xi32, #tpu.memory_space<vmem>> -> memref<128xi32, #tpu.memory_space<vmem>>
    %dma_wait3A_158 = arith.constant 0 : i32
    %dma_wait3A_159 = arith.constant 0 : i32
    %dma_wait3A_160 = tpu.memref_slice %arg3[%dma_wait3A_158, %dma_wait3A_159] : memref<8192x128xf32, #tpu.memory_space<hbm>> -> memref<8192x128xf32, #tpu.memory_space<hbm>>
    tpu.wait_indirect_dma semaphore(%arg8 : memref<!tpu.dma_semaphore, #tpu.memory_space<semaphore_mem>>) src(%dma_wait3A_160 : memref<8192x128xf32, #tpu.memory_space<hbm>>) dst(%dma_wait3A_154 : memref<128x128xf32, #tpu.memory_space<vmem>>)
    %add3A_161 = arith.constant 128 : i32
    %add3A_162 = arith.addi %mul3A_2, %add3A_161 : i32
    %dma_start3A_163 = arith.constant 0 : i32
    %dma_start3A_164 = arith.constant 128 : i32
    %dma_start3A_165 = arith.constant 0 : i32
    %dma_start3A_166 = tpu.memref_slice %arg6[%dma_start3A_164, %dma_start3A_165] : memref<256x128xf32, #tpu.memory_space<vmem>> -> memref<128x128xf32, #tpu.memory_space<vmem>>
    %dma_start3A_167 = arith.constant 0 : i32
    %dma_start3A_168 = tpu.memref_slice %arg4[%dma_start3A_163, %add3A_162, %dma_start3A_167] : memref<4x8192x128xf32, #tpu.memory_space<hbm>> -> memref<1x128x128xf32, #tpu.memory_space<hbm>>
    %dma_start3A_169 = tpu.memref_squeeze %dma_start3A_168 : memref<1x128x128xf32, #tpu.memory_space<hbm>> -> memref<128x128xf32, #tpu.memory_space<hbm>>
    %dma_start3A_170 = arith.constant 0 : i32
    %dma_start3A_171 = tpu.memref_slice %arg4[%dma_start3A_163, %add3A_162, %dma_start3A_170] : memref<4x8192x128xf32, #tpu.memory_space<hbm>> -> memref<1x128x128xf32, #tpu.memory_space<hbm>>
    %dma_start3A_172 = tpu.memref_squeeze %dma_start3A_171 : memref<1x128x128xf32, #tpu.memory_space<hbm>> -> memref<128x128xf32, #tpu.memory_space<hbm>>
    %dma_start3A_173 = arith.constant 128 : i32
    %dma_start3A_174 = arith.constant 0 : i32
    %dma_start3A_175 = tpu.memref_slice %arg6[%dma_start3A_173, %dma_start3A_174] : memref<256x128xf32, #tpu.memory_space<vmem>> -> memref<128x128xf32, #tpu.memory_space<vmem>>
    tpu.enqueue_dma source(%dma_start3A_175 : memref<128x128xf32, #tpu.memory_space<vmem>>) target(%dma_start3A_172 : memref<128x128xf32, #tpu.memory_space<hbm>>) target_semaphore(%arg9 : memref<!tpu.dma_semaphore, #tpu.memory_space<semaphore_mem>>)
    %add3A_176 = arith.constant 128 : i32
    %add3A_177 = arith.addi %mul3A_2, %add3A_176 : i32
    %dma_start3A_178 = arith.constant 1 : i32
    %dma_start3A_179 = arith.constant 128 : i32
    %dma_start3A_180 = arith.constant 0 : i32
    %dma_start3A_181 = tpu.memref_slice %arg6[%dma_start3A_179, %dma_start3A_180] : memref<256x128xf32, #tpu.memory_space<vmem>> -> memref<128x128xf32, #tpu.memory_space<vmem>>
    %dma_start3A_182 = arith.constant 0 : i32
    %dma_start3A_183 = tpu.memref_slice %arg4[%dma_start3A_178, %add3A_177, %dma_start3A_182] : memref<4x8192x128xf32, #tpu.memory_space<hbm>> -> memref<1x128x128xf32, #tpu.memory_space<hbm>>
    %dma_start3A_184 = tpu.memref_squeeze %dma_start3A_183 : memref<1x128x128xf32, #tpu.memory_space<hbm>> -> memref<128x128xf32, #tpu.memory_space<hbm>>
    %dma_start3A_185 = arith.constant 0 : i32
    %dma_start3A_186 = tpu.memref_slice %arg4[%dma_start3A_178, %add3A_177, %dma_start3A_185] : memref<4x8192x128xf32, #tpu.memory_space<hbm>> -> memref<1x128x128xf32, #tpu.memory_space<hbm>>
    %dma_start3A_187 = tpu.memref_squeeze %dma_start3A_186 : memref<1x128x128xf32, #tpu.memory_space<hbm>> -> memref<128x128xf32, #tpu.memory_space<hbm>>
    %dma_start3A_188 = arith.constant 128 : i32
    %dma_start3A_189 = arith.constant 0 : i32
    %dma_start3A_190 = tpu.memref_slice %arg6[%dma_start3A_188, %dma_start3A_189] : memref<256x128xf32, #tpu.memory_space<vmem>> -> memref<128x128xf32, #tpu.memory_space<vmem>>
    tpu.enqueue_dma source(%dma_start3A_190 : memref<128x128xf32, #tpu.memory_space<vmem>>) target(%dma_start3A_187 : memref<128x128xf32, #tpu.memory_space<hbm>>) target_semaphore(%arg9 : memref<!tpu.dma_semaphore, #tpu.memory_space<semaphore_mem>>)
    %add3A_191 = arith.constant 128 : i32
    %add3A_192 = arith.addi %mul3A_2, %add3A_191 : i32
    %dma_start3A_193 = arith.constant 2 : i32
    %dma_start3A_194 = arith.constant 128 : i32
    %dma_start3A_195 = arith.constant 0 : i32
    %dma_start3A_196 = tpu.memref_slice %arg6[%dma_start3A_194, %dma_start3A_195] : memref<256x128xf32, #tpu.memory_space<vmem>> -> memref<128x128xf32, #tpu.memory_space<vmem>>
    %dma_start3A_197 = arith.constant 0 : i32
    %dma_start3A_198 = tpu.memref_slice %arg4[%dma_start3A_193, %add3A_192, %dma_start3A_197] : memref<4x8192x128xf32, #tpu.memory_space<hbm>> -> memref<1x128x128xf32, #tpu.memory_space<hbm>>
    %dma_start3A_199 = tpu.memref_squeeze %dma_start3A_198 : memref<1x128x128xf32, #tpu.memory_space<hbm>> -> memref<128x128xf32, #tpu.memory_space<hbm>>
    %dma_start3A_200 = arith.constant 0 : i32
    %dma_start3A_201 = tpu.memref_slice %arg4[%dma_start3A_193, %add3A_192, %dma_start3A_200] : memref<4x8192x128xf32, #tpu.memory_space<hbm>> -> memref<1x128x128xf32, #tpu.memory_space<hbm>>
    %dma_start3A_202 = tpu.memref_squeeze %dma_start3A_201 : memref<1x128x128xf32, #tpu.memory_space<hbm>> -> memref<128x128xf32, #tpu.memory_space<hbm>>
    %dma_start3A_203 = arith.constant 128 : i32
    %dma_start3A_204 = arith.constant 0 : i32
    %dma_start3A_205 = tpu.memref_slice %arg6[%dma_start3A_203, %dma_start3A_204] : memref<256x128xf32, #tpu.memory_space<vmem>> -> memref<128x128xf32, #tpu.memory_space<vmem>>
    tpu.enqueue_dma source(%dma_start3A_205 : memref<128x128xf32, #tpu.memory_space<vmem>>) target(%dma_start3A_202 : memref<128x128xf32, #tpu.memory_space<hbm>>) target_semaphore(%arg9 : memref<!tpu.dma_semaphore, #tpu.memory_space<semaphore_mem>>)
    %add3A_206 = arith.constant 128 : i32
    %add3A_207 = arith.addi %mul3A_2, %add3A_206 : i32
    %dma_start3A_208 = arith.constant 3 : i32
    %dma_start3A_209 = arith.constant 128 : i32
    %dma_start3A_210 = arith.constant 0 : i32
    %dma_start3A_211 = tpu.memref_slice %arg6[%dma_start3A_209, %dma_start3A_210] : memref<256x128xf32, #tpu.memory_space<vmem>> -> memref<128x128xf32, #tpu.memory_space<vmem>>
    %dma_start3A_212 = arith.constant 0 : i32
    %dma_start3A_213 = tpu.memref_slice %arg4[%dma_start3A_208, %add3A_207, %dma_start3A_212] : memref<4x8192x128xf32, #tpu.memory_space<hbm>> -> memref<1x128x128xf32, #tpu.memory_space<hbm>>
    %dma_start3A_214 = tpu.memref_squeeze %dma_start3A_213 : memref<1x128x128xf32, #tpu.memory_space<hbm>> -> memref<128x128xf32, #tpu.memory_space<hbm>>
    %dma_start3A_215 = arith.constant 0 : i32
    %dma_start3A_216 = tpu.memref_slice %arg4[%dma_start3A_208, %add3A_207, %dma_start3A_215] : memref<4x8192x128xf32, #tpu.memory_space<hbm>> -> memref<1x128x128xf32, #tpu.memory_space<hbm>>
    %dma_start3A_217 = tpu.memref_squeeze %dma_start3A_216 : memref<1x128x128xf32, #tpu.memory_space<hbm>> -> memref<128x128xf32, #tpu.memory_space<hbm>>
    %dma_start3A_218 = arith.constant 128 : i32
    %dma_start3A_219 = arith.constant 0 : i32
    %dma_start3A_220 = tpu.memref_slice %arg6[%dma_start3A_218, %dma_start3A_219] : memref<256x128xf32, #tpu.memory_space<vmem>> -> memref<128x128xf32, #tpu.memory_space<vmem>>
    tpu.enqueue_dma source(%dma_start3A_220 : memref<128x128xf32, #tpu.memory_space<vmem>>) target(%dma_start3A_217 : memref<128x128xf32, #tpu.memory_space<hbm>>) target_semaphore(%arg9 : memref<!tpu.dma_semaphore, #tpu.memory_space<semaphore_mem>>)
    %dma_wait3A_221 = arith.constant 0 : i32
    %dma_wait3A_222 = arith.constant 0 : i32
    %dma_wait3A_223 = arith.constant 0 : i32
    %dma_wait3A_224 = tpu.memref_slice %arg6[%dma_wait3A_222, %dma_wait3A_223] : memref<256x128xf32, #tpu.memory_space<vmem>> -> memref<128x128xf32, #tpu.memory_space<vmem>>
    %dma_wait3A_225 = arith.constant 0 : i32
    %dma_wait3A_226 = tpu.memref_slice %arg4[%dma_wait3A_221, %add3A_92, %dma_wait3A_225] : memref<4x8192x128xf32, #tpu.memory_space<hbm>> -> memref<1x128x128xf32, #tpu.memory_space<hbm>>
    %dma_wait3A_227 = tpu.memref_squeeze %dma_wait3A_226 : memref<1x128x128xf32, #tpu.memory_space<hbm>> -> memref<128x128xf32, #tpu.memory_space<hbm>>
    %dma_wait3A_228 = arith.constant 0 : i32
    %dma_wait3A_229 = tpu.memref_slice %arg4[%dma_wait3A_221, %add3A_92, %dma_wait3A_228] : memref<4x8192x128xf32, #tpu.memory_space<hbm>> -> memref<1x128x128xf32, #tpu.memory_space<hbm>>
    %dma_wait3A_230 = tpu.memref_squeeze %dma_wait3A_229 : memref<1x128x128xf32, #tpu.memory_space<hbm>> -> memref<128x128xf32, #tpu.memory_space<hbm>>
    %dma_wait3A_231 = arith.constant 0 : i32
    %dma_wait3A_232 = arith.constant 0 : i32
    %dma_wait3A_233 = tpu.memref_slice %arg6[%dma_wait3A_231, %dma_wait3A_232] : memref<256x128xf32, #tpu.memory_space<vmem>> -> memref<128x128xf32, #tpu.memory_space<vmem>>
    tpu.wait_dma2 semaphore(%arg9 : memref<!tpu.dma_semaphore, #tpu.memory_space<semaphore_mem>>) src(%dma_wait3A_233 : memref<128x128xf32, #tpu.memory_space<vmem>>) dst(%dma_wait3A_230 : memref<128x128xf32, #tpu.memory_space<hbm>>)
    %dma_wait3A_234 = arith.constant 1 : i32
    %dma_wait3A_235 = arith.constant 0 : i32
    %dma_wait3A_236 = arith.constant 0 : i32
    %dma_wait3A_237 = tpu.memref_slice %arg6[%dma_wait3A_235, %dma_wait3A_236] : memref<256x128xf32, #tpu.memory_space<vmem>> -> memref<128x128xf32, #tpu.memory_space<vmem>>
    %dma_wait3A_238 = arith.constant 0 : i32
    %dma_wait3A_239 = tpu.memref_slice %arg4[%dma_wait3A_234, %add3A_107, %dma_wait3A_238] : memref<4x8192x128xf32, #tpu.memory_space<hbm>> -> memref<1x128x128xf32, #tpu.memory_space<hbm>>
    %dma_wait3A_240 = tpu.memref_squeeze %dma_wait3A_239 : memref<1x128x128xf32, #tpu.memory_space<hbm>> -> memref<128x128xf32, #tpu.memory_space<hbm>>
    %dma_wait3A_241 = arith.constant 0 : i32
    %dma_wait3A_242 = tpu.memref_slice %arg4[%dma_wait3A_234, %add3A_107, %dma_wait3A_241] : memref<4x8192x128xf32, #tpu.memory_space<hbm>> -> memref<1x128x128xf32, #tpu.memory_space<hbm>>
    %dma_wait3A_243 = tpu.memref_squeeze %dma_wait3A_242 : memref<1x128x128xf32, #tpu.memory_space<hbm>> -> memref<128x128xf32, #tpu.memory_space<hbm>>
    %dma_wait3A_244 = arith.constant 0 : i32
    %dma_wait3A_245 = arith.constant 0 : i32
    %dma_wait3A_246 = tpu.memref_slice %arg6[%dma_wait3A_244, %dma_wait3A_245] : memref<256x128xf32, #tpu.memory_space<vmem>> -> memref<128x128xf32, #tpu.memory_space<vmem>>
    tpu.wait_dma2 semaphore(%arg9 : memref<!tpu.dma_semaphore, #tpu.memory_space<semaphore_mem>>) src(%dma_wait3A_246 : memref<128x128xf32, #tpu.memory_space<vmem>>) dst(%dma_wait3A_243 : memref<128x128xf32, #tpu.memory_space<hbm>>)
    %dma_wait3A_247 = arith.constant 2 : i32
    %dma_wait3A_248 = arith.constant 0 : i32
    %dma_wait3A_249 = arith.constant 0 : i32
    %dma_wait3A_250 = tpu.memref_slice %arg6[%dma_wait3A_248, %dma_wait3A_249] : memref<256x128xf32, #tpu.memory_space<vmem>> -> memref<128x128xf32, #tpu.memory_space<vmem>>
    %dma_wait3A_251 = arith.constant 0 : i32
    %dma_wait3A_252 = tpu.memref_slice %arg4[%dma_wait3A_247, %add3A_122, %dma_wait3A_251] : memref<4x8192x128xf32, #tpu.memory_space<hbm>> -> memref<1x128x128xf32, #tpu.memory_space<hbm>>
    %dma_wait3A_253 = tpu.memref_squeeze %dma_wait3A_252 : memref<1x128x128xf32, #tpu.memory_space<hbm>> -> memref<128x128xf32, #tpu.memory_space<hbm>>
    %dma_wait3A_254 = arith.constant 0 : i32
    %dma_wait3A_255 = tpu.memref_slice %arg4[%dma_wait3A_247, %add3A_122, %dma_wait3A_254] : memref<4x8192x128xf32, #tpu.memory_space<hbm>> -> memref<1x128x128xf32, #tpu.memory_space<hbm>>
    %dma_wait3A_256 = tpu.memref_squeeze %dma_wait3A_255 : memref<1x128x128xf32, #tpu.memory_space<hbm>> -> memref<128x128xf32, #tpu.memory_space<hbm>>
    %dma_wait3A_257 = arith.constant 0 : i32
    %dma_wait3A_258 = arith.constant 0 : i32
    %dma_wait3A_259 = tpu.memref_slice %arg6[%dma_wait3A_257, %dma_wait3A_258] : memref<256x128xf32, #tpu.memory_space<vmem>> -> memref<128x128xf32, #tpu.memory_space<vmem>>
    tpu.wait_dma2 semaphore(%arg9 : memref<!tpu.dma_semaphore, #tpu.memory_space<semaphore_mem>>) src(%dma_wait3A_259 : memref<128x128xf32, #tpu.memory_space<vmem>>) dst(%dma_wait3A_256 : memref<128x128xf32, #tpu.memory_space<hbm>>)
    %dma_wait3A_260 = arith.constant 3 : i32
    %dma_wait3A_261 = arith.constant 0 : i32
    %dma_wait3A_262 = arith.constant 0 : i32
    %dma_wait3A_263 = tpu.memref_slice %arg6[%dma_wait3A_261, %dma_wait3A_262] : memref<256x128xf32, #tpu.memory_space<vmem>> -> memref<128x128xf32, #tpu.memory_space<vmem>>
    %dma_wait3A_264 = arith.constant 0 : i32
    %dma_wait3A_265 = tpu.memref_slice %arg4[%dma_wait3A_260, %add3A_137, %dma_wait3A_264] : memref<4x8192x128xf32, #tpu.memory_space<hbm>> -> memref<1x128x128xf32, #tpu.memory_space<hbm>>
    %dma_wait3A_266 = tpu.memref_squeeze %dma_wait3A_265 : memref<1x128x128xf32, #tpu.memory_space<hbm>> -> memref<128x128xf32, #tpu.memory_space<hbm>>
    %dma_wait3A_267 = arith.constant 0 : i32
    %dma_wait3A_268 = tpu.memref_slice %arg4[%dma_wait3A_260, %add3A_137, %dma_wait3A_267] : memref<4x8192x128xf32, #tpu.memory_space<hbm>> -> memref<1x128x128xf32, #tpu.memory_space<hbm>>
    %dma_wait3A_269 = tpu.memref_squeeze %dma_wait3A_268 : memref<1x128x128xf32, #tpu.memory_space<hbm>> -> memref<128x128xf32, #tpu.memory_space<hbm>>
    %dma_wait3A_270 = arith.constant 0 : i32
    %dma_wait3A_271 = arith.constant 0 : i32
    %dma_wait3A_272 = tpu.memref_slice %arg6[%dma_wait3A_270, %dma_wait3A_271] : memref<256x128xf32, #tpu.memory_space<vmem>> -> memref<128x128xf32, #tpu.memory_space<vmem>>
    tpu.wait_dma2 semaphore(%arg9 : memref<!tpu.dma_semaphore, #tpu.memory_space<semaphore_mem>>) src(%dma_wait3A_272 : memref<128x128xf32, #tpu.memory_space<vmem>>) dst(%dma_wait3A_269 : memref<128x128xf32, #tpu.memory_space<hbm>>)
    %dma_wait3A_273 = arith.constant 0 : i32
    %dma_wait3A_274 = arith.constant 128 : i32
    %dma_wait3A_275 = arith.constant 0 : i32
    %dma_wait3A_276 = tpu.memref_slice %arg6[%dma_wait3A_274, %dma_wait3A_275] : memref<256x128xf32, #tpu.memory_space<vmem>> -> memref<128x128xf32, #tpu.memory_space<vmem>>
    %dma_wait3A_277 = arith.constant 0 : i32
    %dma_wait3A_278 = tpu.memref_slice %arg4[%dma_wait3A_273, %add3A_162, %dma_wait3A_277] : memref<4x8192x128xf32, #tpu.memory_space<hbm>> -> memref<1x128x128xf32, #tpu.memory_space<hbm>>
    %dma_wait3A_279 = tpu.memref_squeeze %dma_wait3A_278 : memref<1x128x128xf32, #tpu.memory_space<hbm>> -> memref<128x128xf32, #tpu.memory_space<hbm>>
    %dma_wait3A_280 = arith.constant 0 : i32
    %dma_wait3A_281 = tpu.memref_slice %arg4[%dma_wait3A_273, %add3A_162, %dma_wait3A_280] : memref<4x8192x128xf32, #tpu.memory_space<hbm>> -> memref<1x128x128xf32, #tpu.memory_space<hbm>>
    %dma_wait3A_282 = tpu.memref_squeeze %dma_wait3A_281 : memref<1x128x128xf32, #tpu.memory_space<hbm>> -> memref<128x128xf32, #tpu.memory_space<hbm>>
    %dma_wait3A_283 = arith.constant 128 : i32
    %dma_wait3A_284 = arith.constant 0 : i32
    %dma_wait3A_285 = tpu.memref_slice %arg6[%dma_wait3A_283, %dma_wait3A_284] : memref<256x128xf32, #tpu.memory_space<vmem>> -> memref<128x128xf32, #tpu.memory_space<vmem>>
    tpu.wait_dma2 semaphore(%arg9 : memref<!tpu.dma_semaphore, #tpu.memory_space<semaphore_mem>>) src(%dma_wait3A_285 : memref<128x128xf32, #tpu.memory_space<vmem>>) dst(%dma_wait3A_282 : memref<128x128xf32, #tpu.memory_space<hbm>>)
    %dma_wait3A_286 = arith.constant 1 : i32
    %dma_wait3A_287 = arith.constant 128 : i32
    %dma_wait3A_288 = arith.constant 0 : i32
    %dma_wait3A_289 = tpu.memref_slice %arg6[%dma_wait3A_287, %dma_wait3A_288] : memref<256x128xf32, #tpu.memory_space<vmem>> -> memref<128x128xf32, #tpu.memory_space<vmem>>
    %dma_wait3A_290 = arith.constant 0 : i32
    %dma_wait3A_291 = tpu.memref_slice %arg4[%dma_wait3A_286, %add3A_177, %dma_wait3A_290] : memref<4x8192x128xf32, #tpu.memory_space<hbm>> -> memref<1x128x128xf32, #tpu.memory_space<hbm>>
    %dma_wait3A_292 = tpu.memref_squeeze %dma_wait3A_291 : memref<1x128x128xf32, #tpu.memory_space<hbm>> -> memref<128x128xf32, #tpu.memory_space<hbm>>
    %dma_wait3A_293 = arith.constant 0 : i32
    %dma_wait3A_294 = tpu.memref_slice %arg4[%dma_wait3A_286, %add3A_177, %dma_wait3A_293] : memref<4x8192x128xf32, #tpu.memory_space<hbm>> -> memref<1x128x128xf32, #tpu.memory_space<hbm>>
    %dma_wait3A_295 = tpu.memref_squeeze %dma_wait3A_294 : memref<1x128x128xf32, #tpu.memory_space<hbm>> -> memref<128x128xf32, #tpu.memory_space<hbm>>
    %dma_wait3A_296 = arith.constant 128 : i32
    %dma_wait3A_297 = arith.constant 0 : i32
    %dma_wait3A_298 = tpu.memref_slice %arg6[%dma_wait3A_296, %dma_wait3A_297] : memref<256x128xf32, #tpu.memory_space<vmem>> -> memref<128x128xf32, #tpu.memory_space<vmem>>
    tpu.wait_dma2 semaphore(%arg9 : memref<!tpu.dma_semaphore, #tpu.memory_space<semaphore_mem>>) src(%dma_wait3A_298 : memref<128x128xf32, #tpu.memory_space<vmem>>) dst(%dma_wait3A_295 : memref<128x128xf32, #tpu.memory_space<hbm>>)
    %dma_wait3A_299 = arith.constant 2 : i32
    %dma_wait3A_300 = arith.constant 128 : i32
    %dma_wait3A_301 = arith.constant 0 : i32
    %dma_wait3A_302 = tpu.memref_slice %arg6[%dma_wait3A_300, %dma_wait3A_301] : memref<256x128xf32, #tpu.memory_space<vmem>> -> memref<128x128xf32, #tpu.memory_space<vmem>>
    %dma_wait3A_303 = arith.constant 0 : i32
    %dma_wait3A_304 = tpu.memref_slice %arg4[%dma_wait3A_299, %add3A_192, %dma_wait3A_303] : memref<4x8192x128xf32, #tpu.memory_space<hbm>> -> memref<1x128x128xf32, #tpu.memory_space<hbm>>
    %dma_wait3A_305 = tpu.memref_squeeze %dma_wait3A_304 : memref<1x128x128xf32, #tpu.memory_space<hbm>> -> memref<128x128xf32, #tpu.memory_space<hbm>>
    %dma_wait3A_306 = arith.constant 0 : i32
    %dma_wait3A_307 = tpu.memref_slice %arg4[%dma_wait3A_299, %add3A_192, %dma_wait3A_306] : memref<4x8192x128xf32, #tpu.memory_space<hbm>> -> memref<1x128x128xf32, #tpu.memory_space<hbm>>
    %dma_wait3A_308 = tpu.memref_squeeze %dma_wait3A_307 : memref<1x128x128xf32, #tpu.memory_space<hbm>> -> memref<128x128xf32, #tpu.memory_space<hbm>>
    %dma_wait3A_309 = arith.constant 128 : i32
    %dma_wait3A_310 = arith.constant 0 : i32
    %dma_wait3A_311 = tpu.memref_slice %arg6[%dma_wait3A_309, %dma_wait3A_310] : memref<256x128xf32, #tpu.memory_space<vmem>> -> memref<128x128xf32, #tpu.memory_space<vmem>>
    tpu.wait_dma2 semaphore(%arg9 : memref<!tpu.dma_semaphore, #tpu.memory_space<semaphore_mem>>) src(%dma_wait3A_311 : memref<128x128xf32, #tpu.memory_space<vmem>>) dst(%dma_wait3A_308 : memref<128x128xf32, #tpu.memory_space<hbm>>)
    %dma_wait3A_312 = arith.constant 3 : i32
    %dma_wait3A_313 = arith.constant 128 : i32
    %dma_wait3A_314 = arith.constant 0 : i32
    %dma_wait3A_315 = tpu.memref_slice %arg6[%dma_wait3A_313, %dma_wait3A_314] : memref<256x128xf32, #tpu.memory_space<vmem>> -> memref<128x128xf32, #tpu.memory_space<vmem>>
    %dma_wait3A_316 = arith.constant 0 : i32
    %dma_wait3A_317 = tpu.memref_slice %arg4[%dma_wait3A_312, %add3A_207, %dma_wait3A_316] : memref<4x8192x128xf32, #tpu.memory_space<hbm>> -> memref<1x128x128xf32, #tpu.memory_space<hbm>>
    %dma_wait3A_318 = tpu.memref_squeeze %dma_wait3A_317 : memref<1x128x128xf32, #tpu.memory_space<hbm>> -> memref<128x128xf32, #tpu.memory_space<hbm>>
    %dma_wait3A_319 = arith.constant 0 : i32
    %dma_wait3A_320 = tpu.memref_slice %arg4[%dma_wait3A_312, %add3A_207, %dma_wait3A_319] : memref<4x8192x128xf32, #tpu.memory_space<hbm>> -> memref<1x128x128xf32, #tpu.memory_space<hbm>>
    %dma_wait3A_321 = tpu.memref_squeeze %dma_wait3A_320 : memref<1x128x128xf32, #tpu.memory_space<hbm>> -> memref<128x128xf32, #tpu.memory_space<hbm>>
    %dma_wait3A_322 = arith.constant 128 : i32
    %dma_wait3A_323 = arith.constant 0 : i32
    %dma_wait3A_324 = tpu.memref_slice %arg6[%dma_wait3A_322, %dma_wait3A_323] : memref<256x128xf32, #tpu.memory_space<vmem>> -> memref<128x128xf32, #tpu.memory_space<vmem>>
    tpu.wait_dma2 semaphore(%arg9 : memref<!tpu.dma_semaphore, #tpu.memory_space<semaphore_mem>>) src(%dma_wait3A_324 : memref<128x128xf32, #tpu.memory_space<vmem>>) dst(%dma_wait3A_321 : memref<128x128xf32, #tpu.memory_space<hbm>>)
    return
  }
}

</mosaic_0001>

<sc_bundles>
// kernel: kernel.3.cloned.1.call-start
scs
__scs_entry_jumppad:
0x0: {  	(pc) =	sbr.rel $0x88, $3  }
0x1: {  	(tag) =	ssettag $0x0;
	lr =	simm.s32 $0x1  }
0x2: {  	[smem:$0x3F9F] =	sst lr;
	_ =	strace $0xD0000000  }
0x3: {  	_ = 	snop  }
0x4: {  	_ = 	snop  }
0x5: {  	_ = 	snop  }
0x6: {  	_ = 	snop  }
0x7: {  	_ = 	snop  }
__scs_overlays_trampoline_lowered:
0x8: {  	[smem:$0x3FAE] =	sst s0  }
0x9: {  	[smem:$0x3FAF] =	sst s1  }
0xa: {  	[smem:$0x3FB0] =	sst s2  }
0xb: {  	[smem:$0x3FB1] =	sst s3  }
0xc: {  	[smem:$0x3FB2] =	sst s4  }
0xd: {  	[smem:$0x3FB3] =	sst s5  }
0xe: {  	[smem:$0x3FB4] =	sst s6  }
0xf: {  	[smem:$0x3FB5] =	sst s7  }
0x10: {  	[smem:$0x3FB6] =	sst s8  }
0x11: {  	[smem:$0x3FB7] =	sst s9;
	s0 =	simm.s32 @!p0 $0x0  }
0x12: {  	s1 =	sld [smem:$0x3F9D];
	s0 =	simm.s32 @p0 $0x1  }
0x13: {  	[smem:$0x3FB8] =	sst s0;
	s0 =	simm.s32 @!p1 $0x0  }
0x14: {  	s2 =	sld [smem:$0x3F9C];
	s0 =	simm.s32 @p1 $0x1  }
0x15: {  	[smem:$0x3FB9] =	sst s0;
	s0 =	simm.s32 @!p2 $0x0  }
0x16: {  	s3 =	sld [smem:$0x3FDB];
	s0 =	simm.s32 @p2 $0x1  }
0x17: {  	s4 =	simm.s32 $0x1BF5;
	[smem:$0x3FBB] =	sst s0  }
0x18: {  	s0 =	sld [smem:$0x3F9E];
	_ =	swait.ge [sflag:s4], $0x0  }
0x19: {  	s7 =	sld [smem:$0x3F9F]  }
0x1a: {  	s8 =	sadd.s32 $0xFFFFE003, lr  }
0x1b: {  	s9 =	sadd.s32 $0xFFFFFEF7, lr;
	s5 =	simm.s32 $0xFFFFFFFF;
	p2 =	slt.u32 s8, $0xFFFFF086  }
0x1c: {  	p1 =	slt.u32 s9, $0xF7A;
	s5 =	simm.s32 @!p2 $0x0  }
0x1d: {  	s5 =	simm.s32 @p1 $0x1;
	p0 =	seq.s32 s7, s2  }
0x1e: {  	s7 =	smul.u32 @!p0 $0xF7A, s2;
	p2 =	seq.s32 @!p0 s5, $0x0  }
0x1f: {  	s9 =	smul.u32 $0xF7A, s1;
	s8 =	simm.s32 @!p0 $0x1BF5;
	p2 =	por !p2, p0  }
0x20: {  	[sflag:s8] =	ssyncset.s32 @!p0 $0xFFFFF086;
	s6 =	sadd.s32 @!p0 s3, s7;
	s7 =	simm.s32 @!p0 $0x108  }
0x21: {  	s3 =	sadd.s32 s3, s9;
	s6 =	sadd.s32 @!p0 $0x88, s6;
	s7 =	simm.s32 @p2 $0x1082  }
0x22: {  	[simem:s7], [sflag:s8] =	dma.local @!p0 [hbm:s6], $0xF7A  }
0x23: {  	s9 =	sor.u32 $0xD0000000, s2;
	s6 =	simm.s32 $0x108;
	_ =	swait.ge @!p0 [sflag:s8], $0x0  }
0x24: {  	s3 =	sadd.s32 $0x88, s3;
	s6 =	simm.s32 @!p1 $0x1082;
	[sflag:s4] =	ssyncset.s32 $0xFFFFF086  }
0x25: {  	[simem:s6], [sflag:s4] =	dma.local [hbm:s3], $0xF7A  }
0x26: {  	[smem:$0x3F9F] =	sst s1;
	(tag) =	ssettag s2;
	_ =	strace s9  }
0x27: {  	s1 =	sld [smem:$0x3FAF]  }
0x28: {  	s2 =	sld [smem:$0x3FB0]  }
0x29: {  	s4 =	sld [smem:$0x3FB2]  }
0x2a: {  	p0 =	seq.s32 s5, $0x0;
	s5 =	sld [smem:$0x3FB3]  }
0x2b: {  	s6 =	sld [smem:$0x3FB4]  }
0x2c: {  	s7 =	sld [smem:$0x3FB5]  }
0x2d: {  	s3 =	simm.s32 $0x108;
	s8 =	sld [smem:$0x3FB6]  }
0x2e: {  	s3 =	simm.s32 @!p0 $0x1082;
	s9 =	sld [smem:$0x3FB7]  }
0x2f: {  	lr =	sadd.s32 s0, s3;
	s0 =	sld [smem:$0x3FAE]  }
0x30: {  	s3 =	sld [smem:$0x3FB1]  }
0x31: {  	[smem:$0x3FBA] =	sst s10  }
0x32: {  	s10 =	sld [smem:$0x3FB8];
	_ =	sdelay $0x3  }
0x33: {  	p0 =	seq.s32 s10, $0x1;
	s10 =	sld [smem:$0x3FBA];
	_ =	sdelay $0x3  }
0x34: {  	[smem:$0x3FBA] =	sst s10  }
0x35: {  	s10 =	sld [smem:$0x3FB9];
	_ =	sdelay $0x3  }
0x36: {  	p1 =	seq.s32 s10, $0x1;
	s10 =	sld [smem:$0x3FBA];
	_ =	sdelay $0x3  }
0x37: {  	[smem:$0x3FBA] =	sst s10  }
0x38: {  	s10 =	sld [smem:$0x3FBB]  }
0x39: {  	_ = 	snop;
	(pc) =	sbr.ind lr, $3  }
0x3a: {  	_ = 	snop  }
0x3b: {  	_ = 	snop  }
0x3c: {  	p2 =	seq.s32 s10, $0x1;
	s10 =	sld [smem:$0x3FBA]  }
0x3d: {  	_ =	shalt  }
0x3e: {  	_ =	shalt  }
0x3f: {  	_ =	shalt  }
0x40: {  	_ =	shalt  }
0x41: {  	_ =	shalt  }
0x42: {  	_ =	shalt  }
0x43: {  	_ =	shalt  }
0x44: {  	_ =	shalt  }
0x45: {  	_ =	shalt  }
0x46: {  	_ =	shalt  }
0x47: {  	_ =	shalt  }
0x48: {  	_ =	shalt  }
0x49: {  	_ =	shalt  }
0x4a: {  	_ =	shalt  }
0x4b: {  	_ =	shalt  }
0x4c: {  	_ =	shalt  }
0x4d: {  	_ =	shalt  }
0x4e: {  	_ =	shalt  }
0x4f: {  	_ =	shalt  }
0x50: {  	_ =	shalt  }
0x51: {  	_ =	shalt  }
0x52: {  	_ =	shalt  }
0x53: {  	_ =	shalt  }
0x54: {  	_ =	shalt  }
0x55: {  	_ =	shalt  }
0x56: {  	_ =	shalt  }
0x57: {  	_ =	shalt  }
0x58: {  	_ =	shalt  }
0x59: {  	_ =	shalt  }
0x5a: {  	_ =	shalt  }
0x5b: {  	_ =	shalt  }
0x5c: {  	_ =	shalt  }
0x5d: {  	_ =	shalt  }
0x5e: {  	_ =	shalt  }
0x5f: {  	_ =	shalt  }
0x60: {  	_ =	shalt  }
0x61: {  	_ =	shalt  }
0x62: {  	_ =	shalt  }
0x63: {  	_ =	shalt  }
0x64: {  	_ =	shalt  }
0x65: {  	_ =	shalt  }
0x66: {  	_ =	shalt  }
0x67: {  	_ =	shalt  }
0x68: {  	_ =	shalt  }
0x69: {  	_ =	shalt  }
0x6a: {  	_ =	shalt  }
0x6b: {  	_ =	shalt  }
0x6c: {  	_ =	shalt  }
0x6d: {  	_ =	shalt  }
0x6e: {  	_ =	shalt  }
0x6f: {  	_ =	shalt  }
0x70: {  	_ =	shalt  }
0x71: {  	_ =	shalt  }
0x72: {  	_ =	shalt  }
0x73: {  	_ =	shalt  }
0x74: {  	_ =	shalt  }
0x75: {  	_ =	shalt  }
0x76: {  	_ =	shalt  }
0x77: {  	_ =	shalt  }
0x78: {  	_ =	shalt  }
0x79: {  	_ =	shalt  }
0x7a: {  	_ =	shalt  }
0x7b: {  	_ =	shalt  }
0x7c: {  	_ =	shalt  }
0x7d: {  	_ =	shalt  }
0x7e: {  	_ =	shalt  }
0x7f: {  	_ =	shalt  }
0x80: {  	_ =	shalt  }
0x81: {  	_ =	shalt  }
0x82: {  	_ =	shalt  }
0x83: {  	_ =	shalt  }
0x84: {  	_ =	shalt  }
0x85: {  	_ =	shalt  }
0x86: {  	_ =	shalt  }
0x87: {  	_ =	shalt  }
.Lfunc_end0:
.L_simem_size_0:
called_computation_lowered:
.L_overlay_start_0:
0x88: {  	s2 =	sld [smem:$0x3FD9]  }
0x89: {  	s3 =	sld [smem:$0x3FFE];
	_ =	sdelay $0x1  }
0x8a: {  	s1 =	srdreg.scid  }
0x8b: {  	s0 =	sand.u32 $0x1, s1  }
0x8c: {  	s18 =	sshll.u32 s0, $0xA;
	s2 =	sadd.s32 s3, s2  }
0x8d: {  	s2 =	sadd.s32 s2, s18  }
0x8e: {  	[smem:$0x3FC6] =	sst s2  }
0x8f: {  	_ = 	snop  }
0x90: {  	s2 =	sld [smem:$0x3FC9]  }
0x91: {  	s19 =	sld [smem:$0x3FC8]  }
0x92: {  	s4 =	sld [smem:$0x3FD0];
	(tm) =	ssettm $0x1  }
0x93: {  	s5 =	sld [smem:$0x3FFB];
	_ =	sdelay $0x3  }
0x94: {  	_ =	strace s5  }
0x95: {  	s5 =	sld [smem:$0x3FFC];
	_ =	sdelay $0x3  }
0x96: {  	_ =	strace s5  }
0x97: {  	s5 =	sld [smem:$0x3FFD];
	_ =	sdelay $0x3  }
0x98: {  	_ =	strace s5  }
0x99: {  	_ =	strace $0x8FFFFFFF  }
0x9a: {  	s20 =	sld [smem:$0x3FDB];
	_ =	sdelay $0x1  }
0x9b: {  	s6 =	simm.s32 $_scs_section_size  }
0x9c: {  	s7 =	simm.s32 $_size__tile_overlayer_lowered;
	s8 =	simm.s32 $_tile_overlayer_lowered  }
0x9d: {  	s23 =	simm.s32 $0x1BFF;
	s22 =	sshll.u32 s8, $0x1;
	s5 =	sadd.s32 s6, s20  }
0x9e: {  	s9 =	simm.s32 $0x0;
	s21 =	sshll.u32 s7, $0x1;
	s7 =	sadd.s32 s22, s5  }
0x9f: {  	[timem:s9], [sflag:s23] =	dma.local [hbm:s7], s21  }
0xa0: {  	_ =	swait.ge [sflag:s23], s21  }
0xa1: {  	s6 =	ssub.s32 $0x0, s21;
	[sflag:s23] =	ssyncset.done $0x0  }
0xa2: {  	[sflag:s23] =	ssyncadd.s32 s6;
	_ =	sdelay $0x1  }
0xa3: {  	s24 =	simm.s32 $0x1B8B  }
0xa4: {  	_ =	swait.ge [sflag:s24], $0x1  }
0xa5: {  	[sflag:s24] =	ssyncset.done $0x0  }
0xa6: {  	s25 =	simm.s32 $0x1B8E;
	[sflag:s24] =	ssyncadd.s32 $0xFFFFFFFF  }
0xa7: {  	s26 =	simm.s32 $execute0_lowered;
	[smem:$0x3FD2] =	sst s25  }
0xa8: {  	s6 =	sshll.u32 s26, $0x1;
	_ =	strace $0x80000046;
	[dreg:$0x1] =	wrdreg $0xFFFFFFFF  }
0xa9: {  	s28 =	simm.s32 $_size_execute0_lowered;
	s5 =	sadd.s32 s5, s6;
	[dreg:$0x0] =	wrdreg $0x0  }
0xaa: {  	s6 =	sshll.u32 s28, $0x1;
	[dreg:$0x2] =	wrdreg s5  }
0xab: {  	[dreg:$0x3] =	wrdreg s6  }
0xac: {  	[dreg:$0x4] =	wrdreg $0xC0  }
0xad: {  	_ =	task [dreg:s9], $0x5FFFF  }
0xae: {  	[dreg:$0x1] =	wrdreg $0xFFFFFFFF  }
0xaf: {  	[dreg:$0x0] =	wrdreg $0x60  }
0xb0: {  	[dreg:$0x2] =	wrdreg s2  }
0xb1: {  	[dreg:$0x3] =	wrdreg s19  }
0xb2: {  	[dreg:$0x4] =	wrdreg s4  }
0xb3: {  	[dreg:$0x5] =	wrdreg $0x9  }
0xb4: {  	_ =	task.clear_ibuf [dreg:s9], $0x6FFFF;
	_ =	strace $0x90000046  }
0xb5: {  	s29 =	simm.s32 $0x9;
	_ =	strace $0x80000048  }
0xb6: {  	_ =	swait.ge [sflag:s29], $0x1  }
0xb7: {  	[sflag:s29] =	ssyncadd.s32 $0xFFFFFFFF  }
0xb8: {  	_ =	strace $0x90000048  }
0xb9: {  	_ =	sfence  }
0xba: {  	s30 =	sld [smem:$0x0];
	_ =	sdelay $0x2  }
0xbb: {  	s31 =	sshll.u32 s1, $0xD;
	s1 =	sshrl.u32 s1, $0x2  }
0xbc: {  	s3 =	sand.u32 $0x4000, s31;
	s1 =	sadd.s32 s1, s30  }
0xbd: {  	s0 =	sor.u32 s3, s0;
	s1 =	sshll.u32 s1, $0x11  }
0xbe: {  	s0 =	sor.u32 s1, s0  }
0xbf: {  	s0 =	sadd.s32 $0x8F2B, s0  }
0xc0: {  	[sflag:s0] =	ssyncadd.remote.s32 $0x1  }
0xc1: {  	_ =	sfence.sel $0xFFFF  }
0xc2: {  	[dreg:$0x0] =	wrdreg $0xFFFFFFFF;
	(pc) =	sbr.abs _section_cstart, $3  }
0xc3: {  	[dreg:$0x1] =	wrdreg $0xFFFFFFFF  }
0xc4: {  	_ =	task.clear_ibuf [dreg:s9], $0x2FFFF;
	_ =	strace $0x9FFFFFFF  }
0xc5: {  	(tm) =	ssettm $0x7FFFFFFF  }
tec
execute0_lowered:
.L_overlay_start_1:
0x0: {  	(tag) =	ssettag $0x1  }
0x1: {  	s0 =	srdreg.scid  }
0x2: {  	s20 =	sand.u32 $0x1, s0  }
0x3: {  	s4 =	rddreg [dreg:$0x0];
	s0 =	stileid.u32;
	s1 =	sshll.u32 s20, $0x4  }
0x4: {  	s2 =	rddreg [dreg:$0x1];
	s12 =	sor.u32 s0, s1  }
0x5: {  	s11 =	rddreg [dreg:$0x2];
	s6 =	sshll.u32 s0, $0x5;
	s5 =	sshll.u32 s12, $0x5  }
0x6: {  	s3 =	simm.s32 $0x0;
	s6 =	sand.u32 $0x60, s6;
	s5 =	sand.u32 $0x380, s5  }
0x7: {  	[smem:$0x7FF] =	sst s3;
	s5 =	sor.u32 s6, s5  }
0x8: {  	s1 =	rddreg [dreg:$0x3];
	_ =	strace $0x80000047;
	s4 =	sadd.s32 s4, s5  }
0x9: {  	[tilespmem:s3], [sflag:$0x1] =	stream.linear.gather [hbm4b:s4+s3], $0x80, $0x38;
	[tilespmem:$0x8100] =	vst v63  }
0xa: {  	s7 =	simm.s32 $0x1;
	s6 =	simm.s32 $0x80;
	s5 =	sadd.s32 $0x10, s4  }
0xb: {  	[tilespmem:s6], [sflag:$0x1] =	stream.linear.gather [hbm4b:s5+s3], $0x80, $0x38;
	[tilespmem:$0x8100] =	vst v63  }
0xc: {  	_ =	swait.ge [sflag:s7], $0x80  }
0xd: {  	[sflag:s7] =	ssyncset.done $0x0  }
0xe: {  	s8 =	simm.s32 $0x100;
	[sflag:s7] =	ssyncadd.s32 $0xFFFFFF80  }
0xf: {  	[tilespmem:s8], [sflag:$0x2] =	stream.indirect.gather [hbm4b:s2+s6], $0x80, s3, s6, $0xb8;
	[tilespmem:$0x8100] =	vst v63  }
0x10: {  	_ =	swait.ge [sflag:s7], $0x80  }
0x11: {  	[sflag:s7] =	ssyncset.done $0x0  }
0x12: {  	s9 =	simm.s32 $0x4100;
	s10 =	simm.s32 $0x2;
	[sflag:s7] =	ssyncadd.s32 $0xFFFFFF80  }
0x13: {  	[tilespmem:s9], [sflag:$0x2] =	stream.indirect.gather [hbm4b:s2+s6], $0x80, s6, s6, $0xb8;
	[tilespmem:$0x8100] =	vst v63  }
0x14: {  	_ =	swait.ge [sflag:s10], $0x4000  }
0x15: {  	s12 =	sshll.u32 s12, $0xC;
	[sflag:s10] =	ssyncset.done $0x0  }
0x16: {  	s11 =	sadd.s32 s11, s12;
	[sflag:s10] =	ssyncadd.s32 $0xFFFFC000  }
0x17: {  	[hbm4b:s11+s3] =	stream.linear.scatter [tilespmem:s8], [sflag:$0x3], $0x4000, $0x38;
	[tilespmem:$0x8100] =	vst v63  }
0x18: {  	s12 =	sadd.s32 $0x20000, s11  }
0x19: {  	[hbm4b:s12+s3] =	stream.linear.scatter [tilespmem:s8], [sflag:$0x3], $0x4000, $0x38;
	[tilespmem:$0x8100] =	vst v63  }
0x1a: {  	s13 =	sadd.s32 $0x40000, s11  }
0x1b: {  	[hbm4b:s13+s3] =	stream.linear.scatter [tilespmem:s8], [sflag:$0x3], $0x4000, $0x38;
	[tilespmem:$0x8100] =	vst v63  }
0x1c: {  	s14 =	sadd.s32 $0x60000, s11  }
0x1d: {  	[hbm4b:s14+s3] =	stream.linear.scatter [tilespmem:s8], [sflag:$0x3], $0x4000, $0x38;
	[tilespmem:$0x8100] =	vst v63  }
0x1e: {  	_ =	swait.ge [sflag:s10], $0x4000  }
0x1f: {  	[sflag:s10] =	ssyncset.done $0x0  }
0x20: {  	s15 =	sadd.s32 $0x800, s11;
	[sflag:s10] =	ssyncadd.s32 $0xFFFFC000  }
0x21: {  	[hbm4b:s15+s3] =	stream.linear.scatter [tilespmem:s9], [sflag:$0x3], $0x4000, $0x38;
	[tilespmem:$0x8100] =	vst v63  }
0x22: {  	s16 =	sadd.s32 $0x20800, s11  }
0x23: {  	[hbm4b:s16+s3] =	stream.linear.scatter [tilespmem:s9], [sflag:$0x3], $0x4000, $0x38;
	[tilespmem:$0x8100] =	vst v63  }
0x24: {  	s17 =	sadd.s32 $0x40800, s11  }
0x25: {  	[hbm4b:s17+s3] =	stream.linear.scatter [tilespmem:s9], [sflag:$0x3], $0x4000, $0x38;
	[tilespmem:$0x8100] =	vst v63  }
0x26: {  	s18 =	simm.s32 $0x3;
	s19 =	sadd.s32 $0x60800, s11  }
0x27: {  	[hbm4b:s19+s3] =	stream.linear.scatter [tilespmem:s9], [sflag:$0x3], $0x4000, $0x38;
	[tilespmem:$0x8100] =	vst v63  }
0x28: {  	_ =	swait.ge [sflag:s18], $0x4000  }
0x29: {  	[sflag:s18] =	ssyncset.done $0x0  }
0x2a: {  	[sflag:s18] =	ssyncadd.s32 $0xFFFFC000  }
0x2b: {  	_ =	swait.ge [sflag:s18], $0x4000  }
0x2c: {  	[sflag:s18] =	ssyncset.done $0x0  }
0x2d: {  	[sflag:s18] =	ssyncadd.s32 $0xFFFFC000  }
0x2e: {  	_ =	swait.ge [sflag:s18], $0x4000  }
0x2f: {  	[sflag:s18] =	ssyncset.done $0x0  }
0x30: {  	[sflag:s18] =	ssyncadd.s32 $0xFFFFC000  }
0x31: {  	_ =	swait.ge [sflag:s18], $0x4000  }
0x32: {  	[sflag:s18] =	ssyncset.done $0x0  }
0x33: {  	[sflag:s18] =	ssyncadd.s32 $0xFFFFC000  }
0x34: {  	_ =	swait.ge [sflag:s18], $0x4000  }
0x35: {  	s20 =	ssub.s32 $0x2, s20;
	[sflag:s18] =	ssyncset.done $0x0  }
0x36: {  	s21 =	sshrl.u32 s20, $0x1;
	[sflag:s18] =	ssyncadd.s32 $0xFFFFC000  }
0x37: {  	s20 =	ssub.s32 s20, s21;
	_ =	swait.ge [sflag:s18], $0x4000  }
0x38: {  	s20 =	smax.u32 s20, $0x1;
	[sflag:s18] =	ssyncset.done $0x0  }
0x39: {  	p0 =	sne.s32 s20, $0x1;
	[sflag:s18] =	ssyncadd.s32 $0xFFFFC000  }
.Ltmp0:
0x3a: {  	_ =	swait.ge [sflag:s18], $0x4000;
	(pc) =	sbr.rel @!p0 .LBB2_2-.Ltmp0, $4  }
0x3b: {  	[sflag:s18] =	ssyncset.done $0x0  }
0x3c: {  	[sflag:s18] =	ssyncadd.s32 $0xFFFFC000  }
0x3d: {  	_ =	swait.ge [sflag:s18], $0x4000  }
0x3e: {  	s20 =	sadd.s32 $0xFFFFFFFF, s20;
	[sflag:s18] =	ssyncset.done $0x0  }
.LBB2_1:
0x3f: {  	p0 =	sne.s32 s20, $0x1;
	s20 =	sadd.s32 $0xFFFFFFFF, s20;
	[sflag:s18] =	ssyncadd.s32 $0xFFFFC000  }
0x40: {  	[tilespmem:s3], [sflag:$0x1] =	stream.linear.gather [hbm4b:s4+s3], $0x80, $0x38;
	[tilespmem:$0x8100] =	vst v63  }
0x41: {  	_ = 	snop  }
0x42: {  	[tilespmem:s6], [sflag:$0x1] =	stream.linear.gather [hbm4b:s5+s3], $0x80, $0x38;
	[tilespmem:$0x8100] =	vst v63  }
0x43: {  	_ =	swait.ge [sflag:s7], $0x80  }
0x44: {  	[sflag:s7] =	ssyncset.done $0x0  }
0x45: {  	[sflag:s7] =	ssyncadd.s32 $0xFFFFFF80  }
0x46: {  	[tilespmem:s8], [sflag:$0x2] =	stream.indirect.gather [hbm4b:s2+s6], $0x80, s3, s6, $0xb8;
	[tilespmem:$0x8100] =	vst v63  }
0x47: {  	_ =	swait.ge [sflag:s7], $0x80  }
0x48: {  	[sflag:s7] =	ssyncset.done $0x0  }
0x49: {  	[sflag:s7] =	ssyncadd.s32 $0xFFFFFF80  }
0x4a: {  	[tilespmem:s9], [sflag:$0x2] =	stream.indirect.gather [hbm4b:s2+s6], $0x80, s6, s6, $0xb8;
	[tilespmem:$0x8100] =	vst v63  }
0x4b: {  	_ =	swait.ge [sflag:s10], $0x4000  }
0x4c: {  	[sflag:s10] =	ssyncset.done $0x0  }
0x4d: {  	[sflag:s10] =	ssyncadd.s32 $0xFFFFC000  }
0x4e: {  	[hbm4b:s11+s3] =	stream.linear.scatter [tilespmem:s8], [sflag:$0x3], $0x4000, $0x38;
	[tilespmem:$0x8100] =	vst v63  }
0x4f: {  	_ = 	snop  }
0x50: {  	[hbm4b:s12+s3] =	stream.linear.scatter [tilespmem:s8], [sflag:$0x3], $0x4000, $0x38;
	[tilespmem:$0x8100] =	vst v63  }
0x51: {  	_ = 	snop  }
0x52: {  	[hbm4b:s13+s3] =	stream.linear.scatter [tilespmem:s8], [sflag:$0x3], $0x4000, $0x38;
	[tilespmem:$0x8100] =	vst v63  }
0x53: {  	_ = 	snop  }
0x54: {  	[hbm4b:s14+s3] =	stream.linear.scatter [tilespmem:s8], [sflag:$0x3], $0x4000, $0x38;
	[tilespmem:$0x8100] =	vst v63  }
0x55: {  	_ =	swait.ge [sflag:s10], $0x4000  }
0x56: {  	[sflag:s10] =	ssyncset.done $0x0  }
0x57: {  	[sflag:s10] =	ssyncadd.s32 $0xFFFFC000  }
0x58: {  	[hbm4b:s15+s3] =	stream.linear.scatter [tilespmem:s9], [sflag:$0x3], $0x4000, $0x38;
	[tilespmem:$0x8100] =	vst v63  }
0x59: {  	_ = 	snop  }
0x5a: {  	[hbm4b:s16+s3] =	stream.linear.scatter [tilespmem:s9], [sflag:$0x3], $0x4000, $0x38;
	[tilespmem:$0x8100] =	vst v63  }
0x5b: {  	_ = 	snop  }
0x5c: {  	[hbm4b:s17+s3] =	stream.linear.scatter [tilespmem:s9], [sflag:$0x3], $0x4000, $0x38;
	[tilespmem:$0x8100] =	vst v63  }
0x5d: {  	_ = 	snop  }
0x5e: {  	[hbm4b:s19+s3] =	stream.linear.scatter [tilespmem:s9], [sflag:$0x3], $0x4000, $0x38;
	[tilespmem:$0x8100] =	vst v63  }
0x5f: {  	_ =	swait.ge [sflag:s18], $0x4000  }
0x60: {  	[sflag:s18] =	ssyncset.done $0x0  }
0x61: {  	[sflag:s18] =	ssyncadd.s32 $0xFFFFC000  }
0x62: {  	_ =	swait.ge [sflag:s18], $0x4000  }
0x63: {  	[sflag:s18] =	ssyncset.done $0x0  }
0x64: {  	[sflag:s18] =	ssyncadd.s32 $0xFFFFC000  }
0x65: {  	_ =	swait.ge [sflag:s18], $0x4000  }
0x66: {  	[sflag:s18] =	ssyncset.done $0x0  }
0x67: {  	[sflag:s18] =	ssyncadd.s32 $0xFFFFC000  }
0x68: {  	_ =	swait.ge [sflag:s18], $0x4000  }
0x69: {  	[sflag:s18] =	ssyncset.done $0x0  }
0x6a: {  	[sflag:s18] =	ssyncadd.s32 $0xFFFFC000  }
0x6b: {  	_ =	swait.ge [sflag:s18], $0x4000  }
0x6c: {  	[sflag:s18] =	ssyncset.done $0x0  }
0x6d: {  	[sflag:s18] =	ssyncadd.s32 $0xFFFFC000  }
0x6e: {  	_ =	swait.ge [sflag:s18], $0x4000  }
0x6f: {  	[sflag:s18] =	ssyncset.done $0x0  }
0x70: {  	[sflag:s18] =	ssyncadd.s32 $0xFFFFC000  }
.Ltmp1:
0x71: {  	_ =	swait.ge [sflag:s18], $0x4000;
	(pc) =	sbr.rel @p0 .LBB2_1-.Ltmp1, $4  }
0x72: {  	[sflag:s18] =	ssyncset.done $0x0  }
0x73: {  	[sflag:s18] =	ssyncadd.s32 $0xFFFFC000  }
0x74: {  	_ =	swait.ge [sflag:s18], $0x4000  }
0x75: {  	[sflag:s18] =	ssyncset.done $0x0  }
.LBB2_2:
0x76: {  	[sflag:s18] =	ssyncadd.s32 $0xFFFFC000  }
0x77: {  	_ =	sfence.sel $0x180000  }
0x78: {  	[bflag:$0x0] =	sbarrier.arrive $0xFFFF  }
0x79: {  	p0 =	sne.s32 s0, $0x0;
	_ =	strace $0x90000047  }
0x7a: {  	s0 =	sadd.s32 @!p0 $0x100000, s1;
	[bflag:$0x2] =	sbarrier.arrive $0xFFFF  }
0x7b: {  	[sflag:s0] =	ssyncadd.tile.s32 @!p0 $0x1;
	_ =	shalt  }
.Lfunc_end2:
_tile_overlayer_lowered:
.L_overlay_start_2:
0x7c: {  	(tag) =	ssettag $0x2  }
0x7d: {  	s0 =	rddreg [dreg:$0x0];
	s2 =	stileid.u32  }
0x7e: {  	s1 =	rddreg [dreg:$0x1];
	p0 =	sne.s32 s2, $0x0  }
0x7f: {  	s3 =	rddreg [dreg:$0x2];
	[bflag:$0x3] =	sbarrier.arrive $0xFFFF;
	s2 =	simm.s32 @!p0 $0x1C04  }
0x80: {  	[timem:s3], [sflag:s2] =	dma.local @!p0 [hbm:s0], s1  }
0x81: {  	s0 =	simm.s32 @!p0 $0x4  }
0x82: {  	_ =	swait.ge @!p0 [sflag:s0], s1  }
0x83: {  	s1 =	ssub.s32 @!p0 $0x0, s1;
	[sflag:s0] =	ssyncset.done @!p0 $0x0  }
0x84: {  	[sflag:s0] =	ssyncadd.s32 @!p0 s1  }
0x85: {  	[bflag:$0x3] =	sbarrier.arrive $0xFFFF  }
0x86: {  	_ =	shalt  }

</sc_bundles>
